<compile_context>
chip_gen: v7x
topology: tpu7x:2x2x1
jax: 0.10.2.dev20260603
libtpu: 0.0.44.dev20260713+nightly
codegen_flags: <defaults>
</compile_context>

<pallas_src>
import functools

import jax
import jax.numpy as jnp
from jax import lax
from jax.experimental import pallas as pl
from jax.experimental.pallas import tpu as pltpu
from jax.experimental.pallas import tpu_sc as plsc

_EPS = 1e-7
_N = 32768
_NUM_BAGS = 1024
_NW = 32
_CHUNK = _N // _NW
_L = 16
_VPW = _CHUNK // _L
_ACC = 3 * _NUM_BAGS + _L


def _logf(y):
    bits = lax.bitcast_convert_type(y, jnp.int32)
    e = lax.shift_right_arithmetic(bits, 23) - 127
    mbits = lax.bitwise_or(lax.bitwise_and(bits, 0x007FFFFF), 0x3F800000)
    m = lax.bitcast_convert_type(mbits, jnp.float32)
    big = m > 1.41421356237
    m = jnp.where(big, m * 0.5, m)
    e = jnp.where(big, e + 1, e)
    x = m - 1.0
    ef = e.astype(jnp.float32)
    p = jnp.float32(7.0376836292e-2)
    p = p * x + jnp.float32(-1.1514610310e-1)
    p = p * x + jnp.float32(1.1676998740e-1)
    p = p * x + jnp.float32(-1.2420140846e-1)
    p = p * x + jnp.float32(1.4249322787e-1)
    p = p * x + jnp.float32(-1.6668057665e-1)
    p = p * x + jnp.float32(2.0000714765e-1)
    p = p * x + jnp.float32(-2.4999993993e-1)
    p = p * x + jnp.float32(3.3333331174e-1)
    z = x * x
    r = x * z * p
    r = r + jnp.float32(-2.12194440e-4) * ef
    r = r - 0.5 * z
    return x + r + jnp.float32(0.693359375) * ef


def _sc_body(plb_hbm, acc_out, plb_v, acc_v, dma_sem):
    wid = lax.axis_index("s") * 2 + lax.axis_index("c")
    base = wid * _CHUNK
    cp = pltpu.make_async_copy(plb_hbm.at[:, pl.ds(base, _CHUNK)], plb_v,
                               dma_sem)
    cp.start()

    zeros = jnp.zeros((_L,), jnp.float32)

    @plsc.parallel_loop(0, _ACC // _L, unroll=4)
    def _zero(i):
        acc_v[pl.ds(i * _L, _L)] = zeros

    cp.wait()

    ones = jnp.ones((_L,), jnp.float32)

    @plsc.parallel_loop(0, _VPW, unroll=2,
                        carry=jnp.zeros((_L,), jnp.float32))
    def nsum(i, acc):
        sl = pl.ds(i * _L, _L)
        p = lax.bitcast_convert_type(plb_v[0, sl], jnp.float32)
        lab = plb_v[1, sl]
        bid = plb_v[2, sl]
        ln = _logf(1.0 - p + _EPS)
        negm = lab == 0
        posm = jnp.logical_not(negm)
        plsc.store_scatter(acc_v, [bid], ones, mask=negm)
        plsc.store_scatter(acc_v, [bid + _NUM_BAGS], ones, mask=posm)
        plsc.addupdate_scatter(acc_v, [bid + 2 * _NUM_BAGS], ln, mask=posm)
        return acc + jnp.where(negm, ln, 0.0)

    acc_v[pl.ds(3 * _NUM_BAGS, _L)] = nsum
    pltpu.sync_copy(acc_v, acc_out.at[wid])


_sc_partials = functools.partial(
    pl.kernel,
    out_type=jax.ShapeDtypeStruct((_NW, _ACC), jnp.float32),
    mesh=plsc.VectorSubcoreMesh(core_axis_name="c", subcore_axis_name="s",
                                num_cores=2, num_subcores=16),
    compiler_params=pltpu.CompilerParams(needs_layout_passes=False),
    scratch_types=[
        pltpu.VMEM((3, _CHUNK), jnp.int32),
        pltpu.VMEM((_ACC,), jnp.float32),
        pltpu.SemaphoreType.DMA,
    ],
)(_sc_body)


def _tc_final_body(w_ref, acc_ref, tot_ref, neg_ref, pos_ref):
    negc = jnp.sum(acc_ref[:, 0:_NUM_BAGS], axis=0, keepdims=True)
    posc = jnp.sum(acc_ref[:, _NUM_BAGS:2 * _NUM_BAGS], axis=0, keepdims=True)
    seg = jnp.sum(acc_ref[:, 2 * _NUM_BAGS:3 * _NUM_BAGS], axis=0,
                  keepdims=True)
    num_neg = jnp.sum((negc > 0.0).astype(jnp.float32))
    pos_present = posc > 0.0
    num_pos = jnp.sum(pos_present.astype(jnp.float32))
    neg_sum = jnp.sum(acc_ref[:, 3 * _NUM_BAGS:])
    per_bag = jnp.log(1.0 - jnp.exp(seg) + _EPS)
    pos_sum = jnp.sum(jnp.where(pos_present, per_bag, 0.0))
    nw = w_ref[0].astype(jnp.float32)
    pw = w_ref[1].astype(jnp.float32)
    wneg = -(nw * neg_sum) / num_neg
    wpos = -(pw * pos_sum) / num_pos
    tot_ref[0] = wneg + wpos
    neg_ref[0] = wneg
    pos_ref[0] = wpos


def kernel(probas, labels, bag_ids, neg_weight, pos_weight):
    plb = jnp.stack([lax.bitcast_convert_type(probas, jnp.int32),
                     labels, bag_ids])
    acc = _sc_partials(plb)
    w = jnp.stack([jnp.asarray(neg_weight), jnp.asarray(pos_weight)])
    tot, neg, pos = pl.pallas_call(
        _tc_final_body,
        in_specs=[
            pl.BlockSpec(memory_space=pltpu.SMEM),
            pl.BlockSpec(memory_space=pltpu.VMEM),
        ],
        out_specs=[
            pl.BlockSpec(memory_space=pltpu.SMEM),
            pl.BlockSpec(memory_space=pltpu.SMEM),
            pl.BlockSpec(memory_space=pltpu.SMEM),
        ],
        out_shape=[
            jax.ShapeDtypeStruct((1,), jnp.float32),
            jax.ShapeDtypeStruct((1,), jnp.float32),
            jax.ShapeDtypeStruct((1,), jnp.float32),
        ],
    )(w, acc)
    return (tot.reshape(()), neg.reshape(()), pos.reshape(()))

# --- scband reference (transcript-rebuilt; emitter-appended) ---
"""Pipeline reference for scband-milloss-37031208026189 (READ-ONLY COPY).

The authoritative reference and input builder live on the scoring server;
editing this copy changes nothing except your own understanding.
"""

import jax, jax.numpy as jnp
import numpy as np

EPS = 1e-07


def setup_inputs(seed: int = 0) -> dict:
    key = jax.random.key(seed)
    k1, k2, k3 = jax.random.split(key, 3)
    N = 32768
    NUM_BAGS = 1024
    probas = jax.random.uniform(k1, (N,), dtype=jnp.float32)
    labels = jax.random.randint(k2, (N,), 0, 2, dtype=jnp.int32)
    bag_ids = jnp.sort(jax.random.randint(k3, (N,), 0, NUM_BAGS, dtype=jnp.int32))
    return {
        "probas": probas,
        "labels": labels,
        "bag_ids": bag_ids,
        "neg_weight": jnp.asarray(1, dtype=jnp.int32),
        "pos_weight": jnp.asarray(1, dtype=jnp.int32),
    }


def reference(probas, labels, bag_ids, neg_weight=1, pos_weight=1):
    num_segments = probas.shape[0]
    neg_mask = labels == 0
    pos_mask = labels == 1

    log_not_probas = jnp.log(1 - probas + EPS)

    neg_counts = jax.ops.segment_sum(
        neg_mask.astype(jnp.int32), bag_ids, num_segments=num_segments
    )
    num_neg_ids = (neg_counts > 0).sum()

    weighted_neg_loss = -(
        neg_weight * jnp.where(neg_mask, log_not_probas, 0.0)
    ).sum() / num_neg_ids

    pos_counts = jax.ops.segment_sum(
        pos_mask.astype(jnp.int32), bag_ids, num_segments=num_segments
    )
    pos_present = pos_counts > 0
    num_pos_ids = pos_present.sum()

    # (pos_ids == unique_pos_ids.view(-1,1)) * log_not, summed over dim=1
    # == segment-sum of log_not over contiguous bag indices (sorted unique order)
    seg_sums = jax.ops.segment_sum(
        jnp.where(pos_mask, log_not_probas, 0.0), bag_ids, num_segments=num_segments
    )
    all_neg_proba_pos_bag_ids = jnp.exp(seg_sums)
    per_bag_pos_loss = jnp.log(1 - all_neg_proba_pos_bag_ids + EPS)
    weighted_pos_loss = -(
        pos_weight * jnp.where(pos_present, per_bag_pos_loss, 0.0)
    ).sum() / num_pos_ids

    weighted_total_loss = weighted_neg_loss + weighted_pos_loss
    return (weighted_total_loss, weighted_neg_loss, weighted_pos_loss)

if __name__ == "__main__":
    import jax
    _d = setup_inputs()
    print(jax.jit(kernel)(*tuple(_d.values())))

</pallas_src>

<mosaic_0001>
#map = affine_map<(d0, d1) -> (0, 0)>
module attributes {stable_mosaic.version = 14 : i64} {
  func.func @_sc_body(%arg0: i32, %arg1: i32, %arg2: memref<3x32768xi32, #tpu.memory_space<hbm>>, %arg3: memref<32x3088xf32, #tpu.memory_space<hbm>>, %arg4: memref<3x1024xi32, #tpu.memory_space<vmem>>, %arg5: memref<3088xf32, #tpu.memory_space<vmem>>, %arg6: memref<!tpu.dma_semaphore, #tpu.memory_space<semaphore_mem>>) attributes {dimension_semantics = [#tpu.dimension_semantics<core_parallel>, #tpu.dimension_semantics<subcore_parallel>], iteration_bounds = array<i64: 2, 16>, scalar_prefetch = 0 : i64, scratch_operands = 3 : i64, tpu.core_type = #tpu.core_type<sc_vector_subcore>, window_params = [{transform_indices = #map}, {transform_indices = #map}]} {
    %mul3A = arith.constant 2 : i32
    %mul3A_0 = arith.muli %arg1, %mul3A : i32
    %add3A = arith.addi %mul3A_0, %arg0 : i32
    %mul3A_1 = arith.constant 1024 : i32
    %mul3A_2 = arith.muli %add3A, %mul3A_1 : i32
    %dma_start3A = arith.constant 0 : i32
    %dma_start3A_3 = tpu.memref_slice %arg2[%dma_start3A, %mul3A_2] : memref<3x32768xi32, #tpu.memory_space<hbm>> -> memref<3x1024xi32, #tpu.memory_space<hbm>>
    %dma_start3A_4 = arith.constant 0 : i32
    %dma_start3A_5 = tpu.memref_slice %arg2[%dma_start3A_4, %mul3A_2] : memref<3x32768xi32, #tpu.memory_space<hbm>> -> memref<3x1024xi32, #tpu.memory_space<hbm>>
    tpu.enqueue_dma source(%dma_start3A_5 : memref<3x1024xi32, #tpu.memory_space<hbm>>) target(%arg4 : memref<3x1024xi32, #tpu.memory_space<vmem>>) target_semaphore(%arg6 : memref<!tpu.dma_semaphore, #tpu.memory_space<semaphore_mem>>)
    %broadcast_in_dim3A = arith.constant 0.000000e+00 : f32
    %broadcast_in_dim3A_6 = vector.broadcast %broadcast_in_dim3A : f32 to vector<16xf32>
    %parallel_loop3A = arith.constant 0 : i32
    %parallel_loop3A_7 = arith.constant 193 : i32
    %parallel_loop3A_8 = arith.constant 1 : i32
    scf.for %parallel_loop3A_21 = %parallel_loop3A to %parallel_loop3A_7 step %parallel_loop3A_8  : i32 {
      %parallel_loop3A_22 = arith.constant 16 : i32
      %parallel_loop3A_23 = arith.muli %parallel_loop3A_21, %parallel_loop3A_22 : i32
      %parallel_loop3A_24 = arith.index_cast %parallel_loop3A_23 : i32 to index
      %parallel_loop3A_25 = tpu.vector_load %arg5[%parallel_loop3A_24] {strides = array<i32>} : memref<3088xf32, #tpu.memory_space<vmem>>, vector<16xf32>,
      tpu.vector_store %arg5[%parallel_loop3A_24], %broadcast_in_dim3A_6 {strides = array<i32>} : memref<3088xf32, #tpu.memory_space<vmem>>, vector<16xf32>,
    } {sc.loop_unroll_factor = 4 : i64, sc.parallel_access}
    %dma_wait3A = arith.constant 0 : i32
    %dma_wait3A_9 = tpu.memref_slice %arg2[%dma_wait3A, %mul3A_2] : memref<3x32768xi32, #tpu.memory_space<hbm>> -> memref<3x1024xi32, #tpu.memory_space<hbm>>
    %dma_wait3A_10 = arith.constant 0 : i32
    %dma_wait3A_11 = tpu.memref_slice %arg2[%dma_wait3A_10, %mul3A_2] : memref<3x32768xi32, #tpu.memory_space<hbm>> -> memref<3x1024xi32, #tpu.memory_space<hbm>>
    tpu.wait_dma2 semaphore(%arg6 : memref<!tpu.dma_semaphore, #tpu.memory_space<semaphore_mem>>) src(%dma_wait3A_11 : memref<3x1024xi32, #tpu.memory_space<hbm>>) dst(%arg4 : memref<3x1024xi32, #tpu.memory_space<vmem>>)
    %broadcast_in_dim3A_12 = arith.constant 1.000000e+00 : f32
    %broadcast_in_dim3A_13 = vector.broadcast %broadcast_in_dim3A_12 : f32 to vector<16xf32>
    %broadcast_in_dim3A_14 = arith.constant 0.000000e+00 : f32
    %broadcast_in_dim3A_15 = vector.broadcast %broadcast_in_dim3A_14 : f32 to vector<16xf32>
    %parallel_loop3A_16 = arith.constant 0 : i32
    %parallel_loop3A_17 = arith.constant 64 : i32
    %parallel_loop3A_18 = arith.constant 1 : i32
    %parallel_loop3A_19 = scf.for %parallel_loop3A_21 = %parallel_loop3A_16 to %parallel_loop3A_17 step %parallel_loop3A_18 iter_args(%parallel_loop3A_22 = %broadcast_in_dim3A_15) -> (vector<16xf32>)  : i32 {
      %parallel_loop3A_23 = arith.constant 16 : i32
      %parallel_loop3A_24 = arith.muli %parallel_loop3A_21, %parallel_loop3A_23 : i32
      %parallel_loop3A_25 = arith.constant 0 : i32
      %parallel_loop3A_26 = arith.index_cast %parallel_loop3A_25 : i32 to index
      %parallel_loop3A_27 = arith.index_cast %parallel_loop3A_24 : i32 to index
      %parallel_loop3A_28 = tpu.vector_load %arg4[%parallel_loop3A_26, %parallel_loop3A_27] {strides = array<i32>} : memref<3x1024xi32, #tpu.memory_space<vmem>>, vector<16xi32>,
      %parallel_loop3A_29 = tpu.bitcast %parallel_loop3A_28 : vector<16xi32> -> vector<16xf32>
      %parallel_loop3A_30 = arith.constant 1 : i32
      %parallel_loop3A_31 = arith.index_cast %parallel_loop3A_30 : i32 to index
      %parallel_loop3A_32 = arith.index_cast %parallel_loop3A_24 : i32 to index
      %parallel_loop3A_33 = tpu.vector_load %arg4[%parallel_loop3A_31, %parallel_loop3A_32] {strides = array<i32>} : memref<3x1024xi32, #tpu.memory_space<vmem>>, vector<16xi32>,
      %parallel_loop3A_34 = arith.constant 2 : i32
      %parallel_loop3A_35 = arith.index_cast %parallel_loop3A_34 : i32 to index
      %parallel_loop3A_36 = arith.index_cast %parallel_loop3A_24 : i32 to index
      %parallel_loop3A_37 = tpu.vector_load %arg4[%parallel_loop3A_35, %parallel_loop3A_36] {strides = array<i32>} : memref<3x1024xi32, #tpu.memory_space<vmem>>, vector<16xi32>,
      %parallel_loop3A_38 = arith.constant 1.000000e+00 : f32
      %parallel_loop3A_39 = vector.broadcast %parallel_loop3A_38 : f32 to vector<16xf32>
      %parallel_loop3A_40 = arith.subf %parallel_loop3A_39, %parallel_loop3A_29 : vector<16xf32>
      %parallel_loop3A_41 = arith.constant 1.000000e-07 : f32
      %parallel_loop3A_42 = vector.broadcast %parallel_loop3A_41 : f32 to vector<16xf32>
      %parallel_loop3A_43 = arith.addf %parallel_loop3A_40, %parallel_loop3A_42 : vector<16xf32>
      %parallel_loop3A_44 = tpu.bitcast %parallel_loop3A_43 : vector<16xf32> -> vector<16xi32>
      %parallel_loop3A_45 = arith.constant 23 : i32
      %parallel_loop3A_46 = vector.broadcast %parallel_loop3A_45 : i32 to vector<16xi32>
      %parallel_loop3A_47 = arith.shrsi %parallel_loop3A_44, %parallel_loop3A_46 : vector<16xi32>
      %parallel_loop3A_48 = arith.constant 127 : i32
      %parallel_loop3A_49 = vector.broadcast %parallel_loop3A_48 : i32 to vector<16xi32>
      %parallel_loop3A_50 = arith.subi %parallel_loop3A_47, %parallel_loop3A_49 : vector<16xi32>
      %parallel_loop3A_51 = arith.constant 8388607 : i32
      %parallel_loop3A_52 = vector.broadcast %parallel_loop3A_51 : i32 to vector<16xi32>
      %parallel_loop3A_53 = arith.andi %parallel_loop3A_44, %parallel_loop3A_52 : vector<16xi32>
      %parallel_loop3A_54 = arith.constant 1065353216 : i32
      %parallel_loop3A_55 = vector.broadcast %parallel_loop3A_54 : i32 to vector<16xi32>
      %parallel_loop3A_56 = arith.ori %parallel_loop3A_53, %parallel_loop3A_55 : vector<16xi32>
      %parallel_loop3A_57 = tpu.bitcast %parallel_loop3A_56 : vector<16xi32> -> vector<16xf32>
      %parallel_loop3A_58 = arith.constant 1.41421354 : f32
      %parallel_loop3A_59 = vector.broadcast %parallel_loop3A_58 : f32 to vector<16xf32>
      %parallel_loop3A_60 = arith.cmpf ogt, %parallel_loop3A_57, %parallel_loop3A_59 : vector<16xf32>
      %parallel_loop3A_61 = arith.constant 5.000000e-01 : f32
      %parallel_loop3A_62 = vector.broadcast %parallel_loop3A_61 : f32 to vector<16xf32>
      %parallel_loop3A_63 = arith.mulf %parallel_loop3A_57, %parallel_loop3A_62 : vector<16xf32>
      %parallel_loop3A_64 = arith.select %parallel_loop3A_60, %parallel_loop3A_63, %parallel_loop3A_57 : vector<16xi1>, vector<16xf32>
      %parallel_loop3A_65 = arith.constant 1 : i32
      %parallel_loop3A_66 = vector.broadcast %parallel_loop3A_65 : i32 to vector<16xi32>
      %parallel_loop3A_67 = arith.addi %parallel_loop3A_50, %parallel_loop3A_66 : vector<16xi32>
      %parallel_loop3A_68 = arith.select %parallel_loop3A_60, %parallel_loop3A_67, %parallel_loop3A_50 : vector<16xi1>, vector<16xi32>
      %parallel_loop3A_69 = arith.constant 1.000000e+00 : f32
      %parallel_loop3A_70 = vector.broadcast %parallel_loop3A_69 : f32 to vector<16xf32>
      %parallel_loop3A_71 = arith.subf %parallel_loop3A_64, %parallel_loop3A_70 : vector<16xf32>
      %parallel_loop3A_72 = arith.sitofp %parallel_loop3A_68 : vector<16xi32> to vector<16xf32>
      %parallel_loop3A_73 = arith.constant 0.0703768358 : f32
      %parallel_loop3A_74 = vector.broadcast %parallel_loop3A_73 : f32 to vector<16xf32>
      %parallel_loop3A_75 = arith.mulf %parallel_loop3A_74, %parallel_loop3A_71 : vector<16xf32>
      %parallel_loop3A_76 = arith.constant -0.115146101 : f32
      %parallel_loop3A_77 = vector.broadcast %parallel_loop3A_76 : f32 to vector<16xf32>
      %parallel_loop3A_78 = arith.addf %parallel_loop3A_75, %parallel_loop3A_77 : vector<16xf32>
      %parallel_loop3A_79 = arith.mulf %parallel_loop3A_78, %parallel_loop3A_71 : vector<16xf32>
      %parallel_loop3A_80 = arith.constant 0.116769984 : f32
      %parallel_loop3A_81 = vector.broadcast %parallel_loop3A_80 : f32 to vector<16xf32>
      %parallel_loop3A_82 = arith.addf %parallel_loop3A_79, %parallel_loop3A_81 : vector<16xf32>
      %parallel_loop3A_83 = arith.mulf %parallel_loop3A_82, %parallel_loop3A_71 : vector<16xf32>
      %parallel_loop3A_84 = arith.constant -0.12420141 : f32
      %parallel_loop3A_85 = vector.broadcast %parallel_loop3A_84 : f32 to vector<16xf32>
      %parallel_loop3A_86 = arith.addf %parallel_loop3A_83, %parallel_loop3A_85 : vector<16xf32>
      %parallel_loop3A_87 = arith.mulf %parallel_loop3A_86, %parallel_loop3A_71 : vector<16xf32>
      %parallel_loop3A_88 = arith.constant 0.142493233 : f32
      %parallel_loop3A_89 = vector.broadcast %parallel_loop3A_88 : f32 to vector<16xf32>
      %parallel_loop3A_90 = arith.addf %parallel_loop3A_87, %parallel_loop3A_89 : vector<16xf32>
      %parallel_loop3A_91 = arith.mulf %parallel_loop3A_90, %parallel_loop3A_71 : vector<16xf32>
      %parallel_loop3A_92 = arith.constant -0.166680574 : f32
      %parallel_loop3A_93 = vector.broadcast %parallel_loop3A_92 : f32 to vector<16xf32>
      %parallel_loop3A_94 = arith.addf %parallel_loop3A_91, %parallel_loop3A_93 : vector<16xf32>
      %parallel_loop3A_95 = arith.mulf %parallel_loop3A_94, %parallel_loop3A_71 : vector<16xf32>
      %parallel_loop3A_96 = arith.constant 0.200007141 : f32
      %parallel_loop3A_97 = vector.broadcast %parallel_loop3A_96 : f32 to vector<16xf32>
      %parallel_loop3A_98 = arith.addf %parallel_loop3A_95, %parallel_loop3A_97 : vector<16xf32>
      %parallel_loop3A_99 = arith.mulf %parallel_loop3A_98, %parallel_loop3A_71 : vector<16xf32>
      %parallel_loop3A_100 = arith.constant -0.24999994 : f32
      %parallel_loop3A_101 = vector.broadcast %parallel_loop3A_100 : f32 to vector<16xf32>
      %parallel_loop3A_102 = arith.addf %parallel_loop3A_99, %parallel_loop3A_101 : vector<16xf32>
      %parallel_loop3A_103 = arith.mulf %parallel_loop3A_102, %parallel_loop3A_71 : vector<16xf32>
      %parallel_loop3A_104 = arith.constant 0.333333313 : f32
      %parallel_loop3A_105 = vector.broadcast %parallel_loop3A_104 : f32 to vector<16xf32>
      %parallel_loop3A_106 = arith.addf %parallel_loop3A_103, %parallel_loop3A_105 : vector<16xf32>
      %parallel_loop3A_107 = arith.mulf %parallel_loop3A_71, %parallel_loop3A_71 : vector<16xf32>
      %parallel_loop3A_108 = arith.mulf %parallel_loop3A_71, %parallel_loop3A_107 : vector<16xf32>
      %parallel_loop3A_109 = arith.mulf %parallel_loop3A_108, %parallel_loop3A_106 : vector<16xf32>
      %parallel_loop3A_110 = arith.constant -2.12194442E-4 : f32
      %parallel_loop3A_111 = vector.broadcast %parallel_loop3A_110 : f32 to vector<16xf32>
      %parallel_loop3A_112 = arith.mulf %parallel_loop3A_111, %parallel_loop3A_72 : vector<16xf32>
      %parallel_loop3A_113 = arith.addf %parallel_loop3A_109, %parallel_loop3A_112 : vector<16xf32>
      %parallel_loop3A_114 = arith.constant 5.000000e-01 : f32
      %parallel_loop3A_115 = vector.broadcast %parallel_loop3A_114 : f32 to vector<16xf32>
      %parallel_loop3A_116 = arith.mulf %parallel_loop3A_115, %parallel_loop3A_107 : vector<16xf32>
      %parallel_loop3A_117 = arith.subf %parallel_loop3A_113, %parallel_loop3A_116 : vector<16xf32>
      %parallel_loop3A_118 = arith.addf %parallel_loop3A_71, %parallel_loop3A_117 : vector<16xf32>
      %parallel_loop3A_119 = arith.constant 0.693359375 : f32
      %parallel_loop3A_120 = vector.broadcast %parallel_loop3A_119 : f32 to vector<16xf32>
      %parallel_loop3A_121 = arith.mulf %parallel_loop3A_120, %parallel_loop3A_72 : vector<16xf32>
      %parallel_loop3A_122 = arith.addf %parallel_loop3A_118, %parallel_loop3A_121 : vector<16xf32>
      %parallel_loop3A_123 = arith.constant 0 : i32
      %parallel_loop3A_124 = vector.broadcast %parallel_loop3A_123 : i32 to vector<16xi32>
      %parallel_loop3A_125 = arith.cmpi eq, %parallel_loop3A_33, %parallel_loop3A_124 : vector<16xi32>
      %parallel_loop3A_126 = arith.constant dense<true> : vector<16xi1>
      %parallel_loop3A_127 = arith.xori %parallel_loop3A_125, %parallel_loop3A_126 : vector<16xi1>
      tpu.vector_store_idx %arg5[%parallel_loop3A_37], %broadcast_in_dim3A_13 masked %parallel_loop3A_125 : memref<3088xf32, #tpu.memory_space<vmem>>[vector<16xi32>], vector<16xf32>, vector<16xi1>
      %parallel_loop3A_128 = arith.constant 1024 : i32
      %parallel_loop3A_129 = vector.broadcast %parallel_loop3A_128 : i32 to vector<16xi32>
      %parallel_loop3A_130 = arith.addi %parallel_loop3A_37, %parallel_loop3A_129 : vector<16xi32>
      tpu.vector_store_idx %arg5[%parallel_loop3A_130], %broadcast_in_dim3A_13 masked %parallel_loop3A_127 : memref<3088xf32, #tpu.memory_space<vmem>>[vector<16xi32>], vector<16xf32>, vector<16xi1>
      %parallel_loop3A_131 = arith.constant 2048 : i32
      %parallel_loop3A_132 = vector.broadcast %parallel_loop3A_131 : i32 to vector<16xi32>
      %parallel_loop3A_133 = arith.addi %parallel_loop3A_37, %parallel_loop3A_132 : vector<16xi32>
      tpu.vector_store_idx %arg5[%parallel_loop3A_133], %parallel_loop3A_122 masked %parallel_loop3A_127 {add = true} : memref<3088xf32, #tpu.memory_space<vmem>>[vector<16xi32>], vector<16xf32>, vector<16xi1>
      %parallel_loop3A_134 = arith.constant 0.000000e+00 : f32
      %parallel_loop3A_135 = vector.broadcast %parallel_loop3A_134 : f32 to vector<16xf32>
      %parallel_loop3A_136 = arith.select %parallel_loop3A_125, %parallel_loop3A_122, %parallel_loop3A_135 : vector<16xi1>, vector<16xf32>
      %parallel_loop3A_137 = arith.addf %parallel_loop3A_22, %parallel_loop3A_136 : vector<16xf32>
      scf.yield %parallel_loop3A_137 : vector<16xf32>
    } {sc.loop_unroll_factor = 2 : i64, sc.parallel_access}
    %swap3A = arith.constant 3072 : index
    %swap3A_20 = tpu.vector_load %arg5[%swap3A] {strides = array<i32>} : memref<3088xf32, #tpu.memory_space<vmem>>, vector<16xf32>,
    tpu.vector_store %arg5[%swap3A], %parallel_loop3A_19 {strides = array<i32>} : memref<3088xf32, #tpu.memory_space<vmem>>, vector<16xf32>,
    "tpu.region"() ({
      %run_scoped3A = tpu.sem_alloc : memref<!tpu.dma_semaphore, #tpu.memory_space<semaphore_mem>>
      %dma_start3A_21 = arith.constant 0 : i32
      %dma_start3A_22 = tpu.memref_slice %arg3[%add3A, %dma_start3A_21] : memref<32x3088xf32, #tpu.memory_space<hbm>> -> memref<1x3088xf32, #tpu.memory_space<hbm>>
      %dma_start3A_23 = tpu.memref_squeeze %dma_start3A_22 : memref<1x3088xf32, #tpu.memory_space<hbm>> -> memref<3088xf32, #tpu.memory_space<hbm>>
      %dma_start3A_24 = arith.constant 0 : i32
      %dma_start3A_25 = tpu.memref_slice %arg3[%add3A, %dma_start3A_24] : memref<32x3088xf32, #tpu.memory_space<hbm>> -> memref<1x3088xf32, #tpu.memory_space<hbm>>
      %dma_start3A_26 = tpu.memref_squeeze %dma_start3A_25 : memref<1x3088xf32, #tpu.memory_space<hbm>> -> memref<3088xf32, #tpu.memory_space<hbm>>
      tpu.enqueue_dma source(%arg5 : memref<3088xf32, #tpu.memory_space<vmem>>) target(%dma_start3A_26 : memref<3088xf32, #tpu.memory_space<hbm>>) target_semaphore(%run_scoped3A : memref<!tpu.dma_semaphore, #tpu.memory_space<semaphore_mem>>)
      %dma_wait3A_27 = arith.constant 0 : i32
      %dma_wait3A_28 = tpu.memref_slice %arg3[%add3A, %dma_wait3A_27] : memref<32x3088xf32, #tpu.memory_space<hbm>> -> memref<1x3088xf32, #tpu.memory_space<hbm>>
      %dma_wait3A_29 = tpu.memref_squeeze %dma_wait3A_28 : memref<1x3088xf32, #tpu.memory_space<hbm>> -> memref<3088xf32, #tpu.memory_space<hbm>>
      %dma_wait3A_30 = arith.constant 0 : i32
      %dma_wait3A_31 = tpu.memref_slice %arg3[%add3A, %dma_wait3A_30] : memref<32x3088xf32, #tpu.memory_space<hbm>> -> memref<1x3088xf32, #tpu.memory_space<hbm>>
      %dma_wait3A_32 = tpu.memref_squeeze %dma_wait3A_31 : memref<1x3088xf32, #tpu.memory_space<hbm>> -> memref<3088xf32, #tpu.memory_space<hbm>>
      tpu.wait_dma2 semaphore(%run_scoped3A : memref<!tpu.dma_semaphore, #tpu.memory_space<semaphore_mem>>) src(%arg5 : memref<3088xf32, #tpu.memory_space<vmem>>) dst(%dma_wait3A_32 : memref<3088xf32, #tpu.memory_space<hbm>>)
      tpu.yield
    }) : () -> ()
    return
  }
}

module attributes {stable_mosaic.version = 14 : i64} {
  func.func @_tc_final_body(%arg0: memref<2xi32, #tpu.memory_space<smem>>, %arg1: memref<32x3088xf32, #tpu.memory_space<vmem>>, %arg2: memref<1xf32, #tpu.memory_space<smem>>, %arg3: memref<1xf32, #tpu.memory_space<smem>>, %arg4: memref<1xf32, #tpu.memory_space<smem>>) attributes {dimension_semantics = [], scalar_prefetch = 0 : i64, scratch_operands = 0 : i64, tpu.core_type = #tpu.core_type<tc>} {
    %get3A = arith.constant 0 : index
    %get3A_0 = arith.constant 0 : index
    %get3A_1 = vector.load %arg1[%get3A, %get3A_0] : memref<32x3088xf32, #tpu.memory_space<vmem>>, vector<32x1024xf32>
    %reduce_sum3A = arith.constant dense<0.000000e+00> : vector<1024xf32>
    %reduce_sum3A_2 = vector.multi_reduction <add>, %get3A_1, %reduce_sum3A [0] : vector<32x1024xf32> to vector<1024xf32>
    %broadcast_in_dim3A = vector.shape_cast %reduce_sum3A_2 : vector<1024xf32> to vector<1x1024xf32>
    %get3A_3 = arith.constant 0 : index
    %get3A_4 = arith.constant 1024 : index
    %get3A_5 = vector.load %arg1[%get3A_3, %get3A_4] : memref<32x3088xf32, #tpu.memory_space<vmem>>, vector<32x1024xf32>
    %reduce_sum3A_6 = arith.constant dense<0.000000e+00> : vector<1024xf32>
    %reduce_sum3A_7 = vector.multi_reduction <add>, %get3A_5, %reduce_sum3A_6 [0] : vector<32x1024xf32> to vector<1024xf32>
    %broadcast_in_dim3A_8 = vector.shape_cast %reduce_sum3A_7 : vector<1024xf32> to vector<1x1024xf32>
    %get3A_9 = arith.constant 0 : index
    %get3A_10 = arith.constant 2048 : index
    %get3A_11 = vector.load %arg1[%get3A_9, %get3A_10] : memref<32x3088xf32, #tpu.memory_space<vmem>>, vector<32x1024xf32>
    %reduce_sum3A_12 = arith.constant dense<0.000000e+00> : vector<1024xf32>
    %reduce_sum3A_13 = vector.multi_reduction <add>, %get3A_11, %reduce_sum3A_12 [0] : vector<32x1024xf32> to vector<1024xf32>
    %broadcast_in_dim3A_14 = vector.shape_cast %reduce_sum3A_13 : vector<1024xf32> to vector<1x1024xf32>
    %gt3A = arith.constant 0.000000e+00 : f32
    %gt3A_15 = vector.broadcast %gt3A : f32 to vector<1x1024xf32>
    %gt3A_16 = arith.cmpf ogt, %broadcast_in_dim3A, %gt3A_15 : vector<1x1024xf32>
    %convert_element_type3A = arith.extui %gt3A_16 : vector<1x1024xi1> to vector<1x1024xi32>
    %convert_element_type3A_17 = arith.sitofp %convert_element_type3A : vector<1x1024xi32> to vector<1x1024xf32>
    %reduce_sum3A_18 = vector.shape_cast %convert_element_type3A_17 : vector<1x1024xf32> to vector<1x1x1024xf32>
    %reduce_sum3A_19 = arith.constant dense<0.000000e+00> : vector<1xf32>
    %reduce_sum3A_20 = vector.multi_reduction <add>, %reduce_sum3A_18, %reduce_sum3A_19 [1, 2] : vector<1x1x1024xf32> to vector<1xf32>
    %reduce_sum3A_21 = vector.shape_cast %reduce_sum3A_20 : vector<1xf32> to vector<1x1x1xf32>
    %reduce_sum3A_22 = vector.extract %reduce_sum3A_21[0, 0, 0] : f32 from vector<1x1x1xf32>
    %gt3A_23 = arith.constant 0.000000e+00 : f32
    %gt3A_24 = vector.broadcast %gt3A_23 : f32 to vector<1x1024xf32>
    %gt3A_25 = arith.cmpf ogt, %broadcast_in_dim3A_8, %gt3A_24 : vector<1x1024xf32>
    %convert_element_type3A_26 = arith.extui %gt3A_25 : vector<1x1024xi1> to vector<1x1024xi32>
    %convert_element_type3A_27 = arith.sitofp %convert_element_type3A_26 : vector<1x1024xi32> to vector<1x1024xf32>
    %reduce_sum3A_28 = vector.shape_cast %convert_element_type3A_27 : vector<1x1024xf32> to vector<1x1x1024xf32>
    %reduce_sum3A_29 = arith.constant dense<0.000000e+00> : vector<1xf32>
    %reduce_sum3A_30 = vector.multi_reduction <add>, %reduce_sum3A_28, %reduce_sum3A_29 [1, 2] : vector<1x1x1024xf32> to vector<1xf32>
    %reduce_sum3A_31 = vector.shape_cast %reduce_sum3A_30 : vector<1xf32> to vector<1x1x1xf32>
    %reduce_sum3A_32 = vector.extract %reduce_sum3A_31[0, 0, 0] : f32 from vector<1x1x1xf32>
    %get3A_33 = arith.constant 0 : index
    %get3A_34 = arith.constant 3072 : index
    %get3A_35 = vector.load %arg1[%get3A_33, %get3A_34] : memref<32x3088xf32, #tpu.memory_space<vmem>>, vector<32x16xf32>
    %reduce_sum3A_36 = vector.shape_cast %get3A_35 : vector<32x16xf32> to vector<1x32x16xf32>
    %reduce_sum3A_37 = arith.constant dense<0.000000e+00> : vector<1xf32>
    %reduce_sum3A_38 = vector.multi_reduction <add>, %reduce_sum3A_36, %reduce_sum3A_37 [1, 2] : vector<1x32x16xf32> to vector<1xf32>
    %reduce_sum3A_39 = vector.shape_cast %reduce_sum3A_38 : vector<1xf32> to vector<1x1x1xf32>
    %reduce_sum3A_40 = vector.extract %reduce_sum3A_39[0, 0, 0] : f32 from vector<1x1x1xf32>
    %exp3A = math.exp %broadcast_in_dim3A_14 : vector<1x1024xf32>
    %sub3A = arith.constant 1.000000e+00 : f32
    %sub3A_41 = vector.broadcast %sub3A : f32 to vector<1x1024xf32>
    %sub3A_42 = arith.subf %sub3A_41, %exp3A : vector<1x1024xf32>
    %add3A = arith.constant 1.000000e-07 : f32
    %add3A_43 = vector.broadcast %add3A : f32 to vector<1x1024xf32>
    %add3A_44 = arith.addf %sub3A_42, %add3A_43 : vector<1x1024xf32>
    %log3A = math.log %add3A_44 : vector<1x1024xf32>
    %jit3A = arith.constant 0.000000e+00 : f32
    %broadcast_in_dim3A_45 = vector.broadcast %jit3A : f32 to vector<1x1024xf32>
    %select_n3A = arith.select %gt3A_25, %log3A, %broadcast_in_dim3A_45 : vector<1x1024xi1>, vector<1x1024xf32>
    %reduce_sum3A_46 = vector.shape_cast %select_n3A : vector<1x1024xf32> to vector<1x1x1024xf32>
    %reduce_sum3A_47 = arith.constant dense<0.000000e+00> : vector<1xf32>
    %reduce_sum3A_48 = vector.multi_reduction <add>, %reduce_sum3A_46, %reduce_sum3A_47 [1, 2] : vector<1x1x1024xf32> to vector<1xf32>
    %reduce_sum3A_49 = vector.shape_cast %reduce_sum3A_48 : vector<1xf32> to vector<1x1x1xf32>
    %reduce_sum3A_50 = vector.extract %reduce_sum3A_49[0, 0, 0] : f32 from vector<1x1x1xf32>
    %get3A_51 = arith.constant 0 : index
    %get3A_52 = memref.load %arg0[%get3A_51] : memref<2xi32, #tpu.memory_space<smem>>
    %convert_element_type3A_53 = arith.sitofp %get3A_52 : i32 to f32
    %get3A_54 = arith.constant 1 : index
    %get3A_55 = memref.load %arg0[%get3A_54] : memref<2xi32, #tpu.memory_space<smem>>
    %convert_element_type3A_56 = arith.sitofp %get3A_55 : i32 to f32
    %mul3A = arith.mulf %convert_element_type3A_53, %reduce_sum3A_40 : f32
    %neg3A = arith.constant 0.000000e+00 : f32
    %neg3A_57 = arith.subf %neg3A, %mul3A : f32
    %div3A = arith.divf %neg3A_57, %reduce_sum3A_22 : f32
    %mul3A_58 = arith.mulf %convert_element_type3A_56, %reduce_sum3A_50 : f32
    %neg3A_59 = arith.constant 0.000000e+00 : f32
    %neg3A_60 = arith.subf %neg3A_59, %mul3A_58 : f32
    %div3A_61 = arith.divf %neg3A_60, %reduce_sum3A_32 : f32
    %add3A_62 = arith.addf %div3A, %div3A_61 : f32
    %swap3A = arith.constant 0 : index
    %swap3A_63 = memref.load %arg2[%swap3A] : memref<1xf32, #tpu.memory_space<smem>>
    memref.store %add3A_62, %arg2[%swap3A] : memref<1xf32, #tpu.memory_space<smem>>
    %swap3A_64 = arith.constant 0 : index
    %swap3A_65 = memref.load %arg3[%swap3A_64] : memref<1xf32, #tpu.memory_space<smem>>
    memref.store %div3A, %arg3[%swap3A_64] : memref<1xf32, #tpu.memory_space<smem>>
    %swap3A_66 = arith.constant 0 : index
    %swap3A_67 = memref.load %arg4[%swap3A_66] : memref<1xf32, #tpu.memory_space<smem>>
    memref.store %div3A_61, %arg4[%swap3A_66] : memref<1xf32, #tpu.memory_space<smem>>
    return
  }
}

</mosaic_0001>

<sc_bundles>
// kernel: kernel.4.cloned.1.call-start
scs
__scs_entry_jumppad:
0x0: {  	(pc) =	sbr.rel $0x88, $3  }
0x1: {  	(tag) =	ssettag $0x0;
	lr =	simm.s32 $0x1  }
0x2: {  	[smem:$0x3F9C] =	sst lr;
	_ =	strace $0xD0000000  }
0x3: {  	_ = 	snop  }
0x4: {  	_ = 	snop  }
0x5: {  	_ = 	snop  }
0x6: {  	_ = 	snop  }
0x7: {  	_ = 	snop  }
__scs_overlays_trampoline_lowered:
0x8: {  	[smem:$0x3FAB] =	sst s0  }
0x9: {  	[smem:$0x3FAC] =	sst s1  }
0xa: {  	[smem:$0x3FAD] =	sst s2  }
0xb: {  	[smem:$0x3FAE] =	sst s3  }
0xc: {  	[smem:$0x3FAF] =	sst s4  }
0xd: {  	[smem:$0x3FB0] =	sst s5  }
0xe: {  	[smem:$0x3FB1] =	sst s6  }
0xf: {  	[smem:$0x3FB2] =	sst s7  }
0x10: {  	[smem:$0x3FB3] =	sst s8  }
0x11: {  	[smem:$0x3FB4] =	sst s9;
	s0 =	simm.s32 @!p0 $0x0  }
0x12: {  	s1 =	sld [smem:$0x3F9A];
	s0 =	simm.s32 @p0 $0x1  }
0x13: {  	[smem:$0x3FB5] =	sst s0;
	s0 =	simm.s32 @!p1 $0x0  }
0x14: {  	s2 =	sld [smem:$0x3F99];
	s0 =	simm.s32 @p1 $0x1  }
0x15: {  	[smem:$0x3FB6] =	sst s0;
	s0 =	simm.s32 @!p2 $0x0  }
0x16: {  	s3 =	sld [smem:$0x3FDB];
	s0 =	simm.s32 @p2 $0x1  }
0x17: {  	s4 =	simm.s32 $0x1BF5;
	[smem:$0x3FB8] =	sst s0  }
0x18: {  	s0 =	sld [smem:$0x3F9B];
	_ =	swait.ge [sflag:s4], $0x0  }
0x19: {  	s7 =	sld [smem:$0x3F9C]  }
0x1a: {  	s8 =	sadd.s32 $0xFFFFE003, lr  }
0x1b: {  	s9 =	sadd.s32 $0xFFFFFEF7, lr;
	s5 =	simm.s32 $0xFFFFFFFF;
	p2 =	slt.u32 s8, $0xFFFFF086  }
0x1c: {  	p1 =	slt.u32 s9, $0xF7A;
	s5 =	simm.s32 @!p2 $0x0  }
0x1d: {  	s5 =	simm.s32 @p1 $0x1;
	p0 =	seq.s32 s7, s2  }
0x1e: {  	s7 =	smul.u32 @!p0 $0xF7A, s2;
	p2 =	seq.s32 @!p0 s5, $0x0  }
0x1f: {  	s9 =	smul.u32 $0xF7A, s1;
	s8 =	simm.s32 @!p0 $0x1BF5;
	p2 =	por !p2, p0  }
0x20: {  	[sflag:s8] =	ssyncset.s32 @!p0 $0xFFFFF086;
	s6 =	sadd.s32 @!p0 s3, s7;
	s7 =	simm.s32 @!p0 $0x108  }
0x21: {  	s3 =	sadd.s32 s3, s9;
	s6 =	sadd.s32 @!p0 $0x88, s6;
	s7 =	simm.s32 @p2 $0x1082  }
0x22: {  	[simem:s7], [sflag:s8] =	dma.local @!p0 [hbm:s6], $0xF7A  }
0x23: {  	s9 =	sor.u32 $0xD0000000, s2;
	s6 =	simm.s32 $0x108;
	_ =	swait.ge @!p0 [sflag:s8], $0x0  }
0x24: {  	s3 =	sadd.s32 $0x88, s3;
	s6 =	simm.s32 @!p1 $0x1082;
	[sflag:s4] =	ssyncset.s32 $0xFFFFF086  }
0x25: {  	[simem:s6], [sflag:s4] =	dma.local [hbm:s3], $0xF7A  }
0x26: {  	[smem:$0x3F9C] =	sst s1;
	(tag) =	ssettag s2;
	_ =	strace s9  }
0x27: {  	s1 =	sld [smem:$0x3FAC]  }
0x28: {  	s2 =	sld [smem:$0x3FAD]  }
0x29: {  	s4 =	sld [smem:$0x3FAF]  }
0x2a: {  	p0 =	seq.s32 s5, $0x0;
	s5 =	sld [smem:$0x3FB0]  }
0x2b: {  	s6 =	sld [smem:$0x3FB1]  }
0x2c: {  	s7 =	sld [smem:$0x3FB2]  }
0x2d: {  	s3 =	simm.s32 $0x108;
	s8 =	sld [smem:$0x3FB3]  }
0x2e: {  	s3 =	simm.s32 @!p0 $0x1082;
	s9 =	sld [smem:$0x3FB4]  }
0x2f: {  	lr =	sadd.s32 s0, s3;
	s0 =	sld [smem:$0x3FAB]  }
0x30: {  	s3 =	sld [smem:$0x3FAE]  }
0x31: {  	[smem:$0x3FB7] =	sst s10  }
0x32: {  	s10 =	sld [smem:$0x3FB5];
	_ =	sdelay $0x3  }
0x33: {  	p0 =	seq.s32 s10, $0x1;
	s10 =	sld [smem:$0x3FB7];
	_ =	sdelay $0x3  }
0x34: {  	[smem:$0x3FB7] =	sst s10  }
0x35: {  	s10 =	sld [smem:$0x3FB6];
	_ =	sdelay $0x3  }
0x36: {  	p1 =	seq.s32 s10, $0x1;
	s10 =	sld [smem:$0x3FB7];
	_ =	sdelay $0x3  }
0x37: {  	[smem:$0x3FB7] =	sst s10  }
0x38: {  	s10 =	sld [smem:$0x3FB8]  }
0x39: {  	_ = 	snop;
	(pc) =	sbr.ind lr, $3  }
0x3a: {  	_ = 	snop  }
0x3b: {  	_ = 	snop  }
0x3c: {  	p2 =	seq.s32 s10, $0x1;
	s10 =	sld [smem:$0x3FB7]  }
0x3d: {  	_ =	shalt  }
0x3e: {  	_ =	shalt  }
0x3f: {  	_ =	shalt  }
0x40: {  	_ =	shalt  }
0x41: {  	_ =	shalt  }
0x42: {  	_ =	shalt  }
0x43: {  	_ =	shalt  }
0x44: {  	_ =	shalt  }
0x45: {  	_ =	shalt  }
0x46: {  	_ =	shalt  }
0x47: {  	_ =	shalt  }
0x48: {  	_ =	shalt  }
0x49: {  	_ =	shalt  }
0x4a: {  	_ =	shalt  }
0x4b: {  	_ =	shalt  }
0x4c: {  	_ =	shalt  }
0x4d: {  	_ =	shalt  }
0x4e: {  	_ =	shalt  }
0x4f: {  	_ =	shalt  }
0x50: {  	_ =	shalt  }
0x51: {  	_ =	shalt  }
0x52: {  	_ =	shalt  }
0x53: {  	_ =	shalt  }
0x54: {  	_ =	shalt  }
0x55: {  	_ =	shalt  }
0x56: {  	_ =	shalt  }
0x57: {  	_ =	shalt  }
0x58: {  	_ =	shalt  }
0x59: {  	_ =	shalt  }
0x5a: {  	_ =	shalt  }
0x5b: {  	_ =	shalt  }
0x5c: {  	_ =	shalt  }
0x5d: {  	_ =	shalt  }
0x5e: {  	_ =	shalt  }
0x5f: {  	_ =	shalt  }
0x60: {  	_ =	shalt  }
0x61: {  	_ =	shalt  }
0x62: {  	_ =	shalt  }
0x63: {  	_ =	shalt  }
0x64: {  	_ =	shalt  }
0x65: {  	_ =	shalt  }
0x66: {  	_ =	shalt  }
0x67: {  	_ =	shalt  }
0x68: {  	_ =	shalt  }
0x69: {  	_ =	shalt  }
0x6a: {  	_ =	shalt  }
0x6b: {  	_ =	shalt  }
0x6c: {  	_ =	shalt  }
0x6d: {  	_ =	shalt  }
0x6e: {  	_ =	shalt  }
0x6f: {  	_ =	shalt  }
0x70: {  	_ =	shalt  }
0x71: {  	_ =	shalt  }
0x72: {  	_ =	shalt  }
0x73: {  	_ =	shalt  }
0x74: {  	_ =	shalt  }
0x75: {  	_ =	shalt  }
0x76: {  	_ =	shalt  }
0x77: {  	_ =	shalt  }
0x78: {  	_ =	shalt  }
0x79: {  	_ =	shalt  }
0x7a: {  	_ =	shalt  }
0x7b: {  	_ =	shalt  }
0x7c: {  	_ =	shalt  }
0x7d: {  	_ =	shalt  }
0x7e: {  	_ =	shalt  }
0x7f: {  	_ =	shalt  }
0x80: {  	_ =	shalt  }
0x81: {  	_ =	shalt  }
0x82: {  	_ =	shalt  }
0x83: {  	_ =	shalt  }
0x84: {  	_ =	shalt  }
0x85: {  	_ =	shalt  }
0x86: {  	_ =	shalt  }
0x87: {  	_ =	shalt  }
.Lfunc_end0:
.L_simem_size_0:
called_computation_lowered:
.L_overlay_start_0:
0x88: {  	s2 =	sld [smem:$0x3FD9]  }
0x89: {  	s3 =	sld [smem:$0x3FFE];
	_ =	sdelay $0x1  }
0x8a: {  	s1 =	srdreg.scid  }
0x8b: {  	s0 =	sand.u32 $0x1, s1  }
0x8c: {  	s16 =	sshll.u32 s0, $0xA;
	s2 =	sadd.s32 s3, s2  }
0x8d: {  	s2 =	sadd.s32 s2, s16  }
0x8e: {  	[smem:$0x3FC3] =	sst s2  }
0x8f: {  	_ = 	snop  }
0x90: {  	(tm) =	ssettm $0x1  }
0x91: {  	s17 =	sld [smem:$0x3FFB];
	_ =	sdelay $0x3  }
0x92: {  	_ =	strace s17  }
0x93: {  	s2 =	sld [smem:$0x3FFC];
	_ =	sdelay $0x3  }
0x94: {  	_ =	strace s2  }
0x95: {  	s2 =	sld [smem:$0x3FFD];
	_ =	sdelay $0x3  }
0x96: {  	_ =	strace s2  }
0x97: {  	_ =	strace $0x8FFFFFFF  }
0x98: {  	s18 =	sld [smem:$0x3FDB];
	_ =	sdelay $0x1  }
0x99: {  	s19 =	simm.s32 $_scs_section_size  }
0x9a: {  	s4 =	simm.s32 $_size__tile_overlayer_lowered;
	s5 =	simm.s32 $_tile_overlayer_lowered  }
0x9b: {  	s22 =	simm.s32 $0x1BFF;
	s21 =	sshll.u32 s5, $0x1;
	s2 =	sadd.s32 s19, s18  }
0x9c: {  	s6 =	simm.s32 $0x0;
	s20 =	sshll.u32 s4, $0x1;
	s4 =	sadd.s32 s21, s2  }
0x9d: {  	[timem:s6], [sflag:s22] =	dma.local [hbm:s4], s20  }
0x9e: {  	_ =	swait.ge [sflag:s22], s20  }
0x9f: {  	s3 =	ssub.s32 $0x0, s20;
	[sflag:s22] =	ssyncset.done $0x0  }
0xa0: {  	[sflag:s22] =	ssyncadd.s32 s3;
	_ =	sdelay $0x1  }
0xa1: {  	s23 =	simm.s32 $0x1B8B  }
0xa2: {  	_ =	swait.ge [sflag:s23], $0x1  }
0xa3: {  	[sflag:s23] =	ssyncset.done $0x0  }
0xa4: {  	s25 =	simm.s32 $0x1B8E;
	s24 =	sld [smem:$0x3FFE];
	[sflag:s23] =	ssyncadd.s32 $0xFFFFFFFF  }
0xa5: {  	s26 =	simm.s32 $execute0_lowered;
	[smem:$0x3FD2] =	sst s25  }
0xa6: {  	s4 =	sshll.u32 s26, $0x1;
	_ =	strace $0x80000046;
	[dreg:$0x1] =	wrdreg $0xFFFFFFFF  }
0xa7: {  	s28 =	simm.s32 $_size_execute0_lowered;
	s2 =	sadd.s32 s2, s4;
	[dreg:$0x0] =	wrdreg $0x0  }
0xa8: {  	s4 =	sshll.u32 s28, $0x1;
	[dreg:$0x2] =	wrdreg s2  }
0xa9: {  	[dreg:$0x3] =	wrdreg s4  }
0xaa: {  	[dreg:$0x4] =	wrdreg $0xC0  }
0xab: {  	_ =	task [dreg:s6], $0x5FFFF  }
0xac: {  	[dreg:$0x1] =	wrdreg $0xFFFFFFFF  }
0xad: {  	[dreg:$0x0] =	wrdreg $0x60  }
0xae: {  	[dreg:$0x2] =	wrdreg s24  }
0xaf: {  	[dreg:$0x3] =	wrdreg $0x9  }
0xb0: {  	_ =	task.clear_ibuf [dreg:s6], $0x4FFFF;
	_ =	strace $0x90000046  }
0xb1: {  	s29 =	simm.s32 $0x9;
	_ =	strace $0x80000048  }
0xb2: {  	_ =	swait.ge [sflag:s29], $0x1  }
0xb3: {  	[sflag:s29] =	ssyncadd.s32 $0xFFFFFFFF  }
0xb4: {  	_ =	strace $0x90000048  }
0xb5: {  	_ =	sfence  }
0xb6: {  	s30 =	sld [smem:$0x0];
	_ =	sdelay $0x2  }
0xb7: {  	s31 =	sshll.u32 s1, $0xD;
	s1 =	sshrl.u32 s1, $0x2  }
0xb8: {  	s3 =	sand.u32 $0x4000, s31;
	s1 =	sadd.s32 s1, s30  }
0xb9: {  	s0 =	sor.u32 s3, s0;
	s1 =	sshll.u32 s1, $0x11  }
0xba: {  	s0 =	sor.u32 s1, s0  }
0xbb: {  	s0 =	sadd.s32 $0x8F2B, s0  }
0xbc: {  	[sflag:s0] =	ssyncadd.remote.s32 $0x1  }
0xbd: {  	_ =	sfence.sel $0xFFFF  }
0xbe: {  	[dreg:$0x0] =	wrdreg $0xFFFFFFFF;
	(pc) =	sbr.abs _section_cstart, $3  }
0xbf: {  	[dreg:$0x1] =	wrdreg $0xFFFFFFFF  }
0xc0: {  	_ =	task.clear_ibuf [dreg:s6], $0x2FFFF;
	_ =	strace $0x9FFFFFFF  }
0xc1: {  	(tm) =	ssettm $0x7FFFFFFF  }
tec
execute0_lowered:
.L_overlay_start_1:
0x0: {  	(tag) =	ssettag $0x1  }
0x1: {  	s1 =	srdreg.scid  }
0x2: {  	s0 =	stileid.u32;
	s3 =	rddreg [dreg:$0x0];
	s8 =	simm.s32 $0x80  }
0x3: {  	s9 =	simm.s32 $0x400;
	s10 =	simm.s32 $0x2;
	s11 =	simm.s32 $0x0  }
0x4: {  	s4 =	sand.u32 $0x1, s1;
	s2 =	sshll.u32 s0, $0x1;
	s1 =	rddreg [dreg:$0x1]  }
0x5: {  	s6 =	sshrl.u32 s0, $0x2;
	s5 =	sor.u32 s4, s2;
	s2 =	simm.s32 $0x0  }
0x6: {  	s6 =	smul.u32 $0x6400, s6;
	s4 =	ssub.s32 $0x2, s4;
	s7 =	sshll.u32 s5, $0x7  }
0x7: {  	[smem:$0x7FF] =	sst s2;
	s5 =	sshll.u32 s5, $0x9;
	s7 =	sand.u32 $0x380, s7  }
0x8: {  	s31 =	sshrl.u32 s4, $0x1;
	_ =	strace $0x80000047;
	s6 =	sor.u32 s6, s7  }
0x9: {  	s5 =	sadd.s32 s5, s3;
	s7 =	ssub.s32 s4, s31;
	s6 =	sshrl.u32 s6, $0x3  }
0xa: {  	s6 =	sadd.s32 s6, s3;
	s3 =	sadd.s32 $0xC00, s5;
	s5 =	smax.u32 s7, $0x1  }
0xb: {  	v0 =	vimm.f32 $0.0e+00;
	v1 =	vimm.f32 $1.000000000e+00;
	v2 =	vimm.s32 $0xFFFFFF81;
	s7 =	simm.s32 $0x1000;
	s4 =	sadd.s32 $0x4C00, s6;
	s6 =	simm.s32 $0x1  }
.LBB2_1:
0xc: {  	[tilespmem:s2], [sflag:$0x1] =	stream.linear.gather [hbm4b:s3+s2], $0x1000, $0x38;
	[tilespmem:$0x1C80] =	vst v63  }
0xd: {  	s12 =	simm.s32 $0x1020  }
0xe: {  	[tilespmem:s12+$0xFFFFFFE0] =	vst v0  }
0xf: {  	[tilespmem:s12+$0x10] =	vst v0  }
0x10: {  	s13 =	simm.s32 $0x0;
	[tilespmem:s12+$0x0] =	vst v0  }
.LBB2_2:
0x11: {  	s13 =	sadd.s32 $0x4, s13  }
0x12: {  	[tilespmem:s12+$0xFFFFFFF0] =	vst v0;
	s12 =	sadd.s32 $0x40, s12;
	p0 =	slt.u32 s13, $0xBC  }
.Ltmp0:
0x13: {  	[tilespmem:s12+$0xFFFFFFE0] =	vst v0;
	(pc) =	sbr.rel @p0 .LBB2_2-.Ltmp0, $3  }
0x14: {  	_ =	sdelay $0x1  }
0x15: {  	[tilespmem:s12+$0x10] =	vst v0  }
0x16: {  	[tilespmem:s12+$0x0] =	vst v0  }
0x17: {  	[tilespmem:s12+$0xFFFFFFF0] =	vst v0;
	v3 =	vimm.f32 $0.0e+00  }
0x18: {  	[tilespmem:$0x1C00] =	vst v3  }
0x19: {  	s30 =	simm.s32 $0x0;
	_ =	swait.ge [sflag:s6], $0x1000  }
0x1a: {  	s13 =	sand.u32 $0x60, s30;
	s12 =	sand.u32 $0xE00, s30;
	[sflag:s6] =	ssyncset.done $0x0  }
0x1b: {  	s13 =	sor.u32 s13, s12;
	[sflag:s6] =	ssyncadd.s32 $0xFFFFF000  }
0x1c: {  	v4 =	vld [tilespmem:s13+$0x0];
	_ =	sdelay $0x1  }
0x1d: {  	v5 =	vld [tilespmem:s13+$0x10];
	_ =	sdelay $0x2  }
0x1e: {  	v4 =	vsub.f32 $1.000000000e+00, v4;
	_ =	sdelay $0x1  }
0x1f: {  	v5 =	vsub.f32 $1.000000000e+00, v5;
	v17 =	vadd.f32 $1.000000010e-07, v4;
	_ =	sdelay $0x1  }
0x20: {  	v20 =	vadd.f32 $1.000000010e-07, v5;
	v4 =	vand.u32 $0x7FFFFF, v17  }
0x21: {  	v4 =	vor.u32 $0x3F800000, v4  }
0x22: {  	v5 =	vand.u32 $0x7FFFFF, v20;
	v6 =	vmul.f32 $5.000000000e-01, v4  }
0x23: {  	v5 =	vor.u32 $0x3F800000, v5;
	vm0 =	vgt.f32 v4, $1.414213540e+00  }
0x24: {  	v7 =	vmul.f32 $5.000000000e-01, v5;
	v4 =	vsel vm0, v6, v4  }
0x25: {  	vm1 =	vgt.f32 v5, $1.414213540e+00;
	v16 =	vadd.f32 $-1.000000000e+00, v4  }
0x26: {  	v4 =	vsel vm1, v7, v5  }
0x27: {  	v7 =	vadd.f32 $-1.000000000e+00, v4;
	v5 =	vmul.f32 $7.037683580e-02, v16;
	_ =	sdelay $0x1  }
0x28: {  	v4 =	vadd.f32 $-1.151461010e-01, v5;
	v5 =	vmul.f32 $7.037683580e-02, v7;
	_ =	sdelay $0x1  }
0x29: {  	s31 =	simm.s32 $0x80;
	s14 =	simm.s32 $0x20;
	v4 =	vmul.f32 v4, v16;
	v5 =	vadd.f32 $-1.151461010e-01, v5  }
0x2a: {  	s14 =	sand.u32 $0x60, s14;
	s12 =	sand.u32 $0xE00, s31  }
0x2b: {  	s12 =	sor.u32 s14, s12;
	v8 =	vld [tilespmem:s13+$0x100];
	v4 =	vadd.f32 $1.167699840e-01, v4;
	v6 =	vmul.f32 v5, v7  }
0x2c: {  	v9 =	vld [tilespmem:s12+$0x10]  }
0x2d: {  	v15 =	vld [tilespmem:s12+$0x0];
	v4 =	vmul.f32 v4, v16;
	v6 =	vadd.f32 $1.167699840e-01, v6;
	_ =	sdelay $0x1  }
0x2e: {  	v10 =	vadd.f32 $-1.242014100e-01, v4;
	v6 =	vmul.f32 v6, v7;
	_ =	sdelay $0x1  }
0x2f: {  	v12 =	vadd.s32 $0x400, v8;
	v18 =	vadd.f32 $-1.242014100e-01, v6;
	v10 =	vmul.f32 v10, v16  }
0x30: {  	v11 =	vadd.s32 $0x800, v8;
	v9 =	vsub.f32 $1.000000000e+00, v9;
	v15 =	vsub.f32 $1.000000000e+00, v15  }
0x31: {  	v20 =	vshra.s32 v20, $0x17;
	v19 =	vadd.f32 $1.424932330e-01, v10;
	v18 =	vmul.f32 v18, v7  }
0x32: {  	v17 =	vshra.s32 v17, $0x17;
	vm2 =	vmmov vm1;
	vm3 =	vmmov vm0;
	v5 =	vld [tilespmem:s13+$0x110]  }
0x33: {  	v27 =	vsel vm2, $0xFFFFFF82, v2;
	v21 =	vmul.f32 v19, v16;
	v22 =	vadd.f32 $1.424932330e-01, v18  }
0x34: {  	v28 =	vsel vm3, $0xFFFFFF82, v2;
	v20 =	vadd.s32 v20, v27;
	v27 =	vmul.f32 v16, v16  }
0x35: {  	v17 =	vadd.s32 v17, v28;
	v21 =	vadd.f32 $-1.666805740e-01, v21;
	v22 =	vmul.f32 v22, v7  }
0x36: {  	v28 =	vmul.f32 v27, v16;
	v18 =	vadd.f32 $1.000000010e-07, v15;
	v19 =	vadd.f32 $1.000000010e-07, v9  }
0x37: {  	v4 =	vld [tilespmem:s12+$0x100];
	v14 =	vadd.s32 $0x400, v5;
	v21 =	vmul.f32 v21, v16;
	v22 =	vadd.f32 $-1.666805740e-01, v22  }
0x38: {  	v13 =	vadd.s32 $0x800, v5;
	v23 =	vand.u32 $0x7FFFFF, v18;
	v24 =	vand.u32 $0x7FFFFF, v19  }
0x39: {  	v6 =	vld [tilespmem:s12+$0x110];
	v24 =	vor.u32 $0x3F800000, v24;
	v21 =	vadd.f32 $2.000071410e-01, v21;
	v22 =	vmul.f32 v22, v7  }
0x3a: {  	v23 =	vor.u32 $0x3F800000, v23;
	vm0 =	vgt.f32 v24, $1.414213540e+00;
	v25 =	vmul.f32 $5.000000000e-01, v24  }
0x3b: {  	v26 =	vmul.f32 $5.000000000e-01, v23;
	v21 =	vmul.f32 v21, v16;
	v22 =	vadd.f32 $2.000071410e-01, v22  }
0x3c: {  	v10 =	vadd.s32 $0x400, v4;
	vm1 =	vgt.f32 v23, $1.414213540e+00;
	v24 =	vsel vm0, v25, v24  }
0x3d: {  	v23 =	vsel vm1, v26, v23;
	v25 =	vadd.f32 $-2.499999400e-01, v21;
	v26 =	vmul.f32 v22, v7  }
0x3e: {  	v15 =	vadd.s32 $0x800, v4;
	v9 =	vadd.s32 $0x400, v6;
	v22 =	vadd.f32 $-1.000000000e+00, v23  }
0x3f: {  	v21 =	vcvt.s32.f32 v20;
	v20 =	vmul.f32 v25, v16;
	v25 =	vadd.f32 $-2.499999400e-01, v26  }
0x40: {  	v23 =	vcvt.s32.f32 v17;
	v17 =	vadd.f32 $-1.000000000e+00, v24;
	v26 =	vmul.f32 $7.037683580e-02, v22  }
0x41: {  	v24 =	vmul.f32 v7, v7;
	v20 =	vadd.f32 $3.333333130e-01, v20;
	v25 =	vmul.f32 v25, v7  }
0x42: {  	v29 =	vmul.f32 $7.037683580e-02, v17;
	v30 =	vmul.f32 $2.121944420e-04, v23;
	v26 =	vadd.f32 $-1.151461010e-01, v26  }
0x43: {  	v32 =	vmul.f32 v24, v7;
	v20 =	vmul.f32 v20, v28;
	v31 =	vadd.f32 $3.333333130e-01, v25  }
0x44: {  	v34 =	vadd.f32 $-1.151461010e-01, v29;
	v33 =	vmul.f32 v26, v22;
	v25 =	vmul.f32 $2.121944420e-04, v21  }
0x45: {  	v28 =	vmul.f32 $5.000000000e-01, v27;
	v26 =	vsub.f32 v20, v30;
	v27 =	vmul.f32 v31, v32  }
0x46: {  	s15 =	simm.s32 $0x100;
	s16 =	simm.s32 $0x40;
	s14 =	simm.s32 $0x2;
	v29 =	vadd.f32 $1.167699840e-01, v33;
	v30 =	vmul.f32 v34, v17;
	v20 =	vadd.s32 $0x800, v6  }
.LBB2_4:
0x47: {  	v31 =	vmov v22;
	v26 =	vsub.f32 v26, v28;
	v25 =	vsub.f32 v27, v25  }
0x48: {  	s17 =	sand.u32 $0x60, s16;
	s18 =	sand.u32 $0xE00, s15;
	v24 =	vmul.f32 $5.000000000e-01, v24;
	vm2 =	vmmov vm0;
	v22 =	vld [tilespmem:s13+$0x80];
	v28 =	vadd.f32 $1.167699840e-01, v30  }
0x49: {  	v23 =	vmul.f32 $6.933593750e-01, v23;
	v27 =	vmul.f32 v29, v31;
	v29 =	vld [tilespmem:s13+$0x90];
	s13 =	smov.u32 s12;
	s12 =	sor.u32 s17, s18;
	v26 =	vadd.f32 v26, v16  }
0x4a: {  	vm3 =	vmmov vm1;
	v24 =	vsub.f32 v25, v24;
	v16 =	vmovc v31;
	v30 =	vld [tilespmem:s12+$0x10];
	v28 =	vmul.f32 v28, v17  }
0x4b: {  	v21 =	vmul.f32 $6.933593750e-01, v21;
	v27 =	vadd.f32 $-1.242014100e-01, v27;
	v25 =	vld [tilespmem:s12+$0x100];
	v23 =	vadd.f32 v26, v23  }
0x4c: {  	v34 =	vshra.s32 v19, $0x17;
	v24 =	vadd.f32 v24, v7;
	v7 =	vmovc v17;
	v32 =	vld [tilespmem:s12+$0x0];
	v28 =	vadd.f32 $-1.242014100e-01, v28  }
0x4d: {  	v26 =	vld [tilespmem:s12+$0x110];
	vm0 =	vne.s32 v22, $0x0;
	vm5 =	veq.s32 v22, $0x0;
	v22 =	vmul.f32 v27, v16  }
0x4e: {  	s14 =	sadd.s32 $0x2, s14;
	v21 =	vadd.f32 v24, v21;
	v27 =	vnsel vm5, $0x0, v23;
	vm4 =	veq.s32 v29, $0x0  }
0x4f: {  	p0 =	slt.u32 s14, $0x3E;
	vm1 =	vne.s32 v29, $0x0;
	v24 =	vsub.f32 $1.000000000e+00, v30;
	v3 =	vadd.f32 v27, v3  }
0x50: {  	v22 =	vadd.f32 $1.424932330e-01, v22;
	v27 =	vmul.f32 v28, v7;
	v28 =	vnsel vm4, $0x0, v21  }
0x51: {  	v30 =	vsub.f32 $1.000000000e+00, v32;
	v3 =	vadd.f32 v28, v3;
	v28 =	vadd.s32 $0x400, v25  }
0x52: {  	v22 =	vmul.f32 v22, v16;
	v27 =	vadd.f32 $1.424932330e-01, v27;
	v24 =	vadd.f32 $1.000000010e-07, v24  }
0x53: {  	v29 =	vadd.f32 $1.000000010e-07, v30;
	v30 =	vadd.s32 $0x800, v25;
	[tilespmem:v8+s7+$0x0] =	vst.idx.msk vm5, v1;
	v8 =	vmovc v4;
	v4 =	vmovc v25;
	v25 =	vadd.s32 $0x400, v26  }
0x54: {  	v22 =	vadd.f32 $-1.666805740e-01, v22;
	v27 =	vmul.f32 v27, v7;
	v33 =	vand.u32 $0x7FFFFF, v24;
	[tilespmem:v12+s7+$0x0] =	vst.idx.msk vm0, v1;
	v12 =	vmovc v10  }
0x55: {  	v19 =	vmovc v24;
	v24 =	vsel vm3, $0xFFFFFF82, v2;
	v10 =	vmovc v28;
	v32 =	vand.u32 $0x7FFFFF, v29;
	[tilespmem:v11+s7+$0x0] =	vst.idx.add.f32.msk vm0, v23;
	v11 =	vmov v15  }
0x56: {  	v23 =	vor.u32 $0x3F800000, v33;
	v33 =	vmul.f32 v22, v16;
	v35 =	vadd.f32 $-1.666805740e-01, v27;
	[tilespmem:v5+s7+$0x0] =	vst.idx.msk vm4, v1;
	v5 =	vmovc v6  }
0x57: {  	v27 =	vshra.s32 v18, $0x17;
	v18 =	vmovc v29;
	v22 =	vor.u32 $0x3F800000, v32;
	vm0 =	vgt.f32 v23, $1.414213540e+00;
	v6 =	vmovc v26;
	[tilespmem:v14+s7+$0x0] =	vst.idx.msk vm1, v1  }
0x58: {  	v15 =	vmovc v30;
	v26 =	vmul.f32 $5.000000000e-01, v23;
	v28 =	vadd.f32 $2.000071410e-01, v33;
	v29 =	vmul.f32 v35, v7;
	[tilespmem:v13+s7+$0x0] =	vst.idx.add.f32.msk vm1, v21  }
0x59: {  	v30 =	vsel vm2, $0xFFFFFF82, v2;
	v14 =	vmovc v9;
	vm1 =	vgt.f32 v22, $1.414213540e+00;
	v21 =	vmul.f32 $5.000000000e-01, v22  }
0x5a: {  	v9 =	vmovc v25;
	v13 =	vmovc v20;
	v20 =	vsel vm0, v26, v23;
	v28 =	vmul.f32 v28, v16;
	v29 =	vadd.f32 $2.000071410e-01, v29  }
0x5b: {  	v23 =	vadd.s32 v27, v24;
	v24 =	vadd.s32 v34, v30;
	v27 =	vmul.f32 v31, v16  }
0x5c: {  	v21 =	vsel vm1, v21, v22;
	v25 =	vadd.f32 $-2.499999400e-01, v28;
	v26 =	vmul.f32 v29, v7  }
0x5d: {  	v23 =	vcvt.s32.f32 v23;
	v22 =	vadd.f32 $-1.000000000e+00, v21;
	v21 =	vcvt.s32.f32 v24  }
0x5e: {  	v24 =	vmul.f32 v17, v7;
	v25 =	vmul.f32 v25, v16;
	v26 =	vadd.f32 $-2.499999400e-01, v26  }
0x5f: {  	v17 =	vadd.f32 $-1.000000000e+00, v20;
	v30 =	vmul.f32 $2.121944420e-04, v23;
	v28 =	vmul.f32 $7.037683580e-02, v22  }
0x60: {  	v20 =	vadd.f32 $3.333333130e-01, v25;
	v25 =	vmul.f32 v27, v16;
	v26 =	vmul.f32 v26, v7  }
.Ltmp1:
0x61: {  	v29 =	vmul.f32 $7.037683580e-02, v17;
	v28 =	vadd.f32 $-1.151461010e-01, v28;
	(pc) =	sbr.rel @p0 .LBB2_4-.Ltmp1, $4  }
0x62: {  	v32 =	vmul.f32 v24, v7;
	v20 =	vmul.f32 v20, v25;
	v31 =	vadd.f32 $3.333333130e-01, v26  }
0x63: {  	v34 =	vadd.f32 $-1.151461010e-01, v29;
	v33 =	vmul.f32 v28, v22;
	v25 =	vmul.f32 $2.121944420e-04, v21  }
0x64: {  	v28 =	vmul.f32 $5.000000000e-01, v27;
	v26 =	vsub.f32 v20, v30;
	v27 =	vmul.f32 v31, v32  }
0x65: {  	s15 =	sadd.s32 $0x80, s15;
	s16 =	sadd.s32 $0x20, s16;
	v29 =	vadd.f32 $1.167699840e-01, v33;
	v30 =	vmul.f32 v34, v17;
	v20 =	vadd.s32 $0x800, v6  }
0x66: {  	_ = 	snop  }
0x67: {  	v29 =	vmul.f32 v29, v22;
	v30 =	vadd.f32 $1.167699840e-01, v30;
	_ =	sdelay $0x1  }
0x68: {  	v29 =	vadd.f32 $-1.242014100e-01, v29;
	v30 =	vmul.f32 v30, v17;
	_ =	sdelay $0x1  }
0x69: {  	v29 =	vmul.f32 v29, v22;
	v30 =	vadd.f32 $-1.242014100e-01, v30;
	_ =	sdelay $0x1  }
0x6a: {  	v29 =	vadd.f32 $1.424932330e-01, v29;
	v30 =	vmul.f32 v30, v17;
	_ =	sdelay $0x1  }
0x6b: {  	v29 =	vmul.f32 v29, v22;
	v30 =	vadd.f32 $1.424932330e-01, v30;
	_ =	sdelay $0x1  }
0x6c: {  	v29 =	vadd.f32 $-1.666805740e-01, v29;
	v30 =	vmul.f32 v30, v17  }
0x6d: {  	v26 =	vsub.f32 v26, v28  }
0x6e: {  	v25 =	vsub.f32 v27, v25;
	v29 =	vmul.f32 v29, v22;
	v37 =	vadd.f32 $-1.666805740e-01, v30  }
0x6f: {  	v24 =	vmul.f32 $5.000000000e-01, v24;
	v23 =	vmul.f32 $6.933593750e-01, v23;
	vm3 =	vmmov vm0  }
0x70: {  	vm4 =	vmmov vm1;
	v29 =	vadd.f32 $2.000071410e-01, v29;
	v39 =	vmul.f32 v37, v17  }
0x71: {  	v18 =	vshra.s32 v18, $0x17;
	v43 =	vmul.f32 v22, v22;
	v19 =	vshra.s32 v19, $0x17  }
0x72: {  	v31 =	vld [tilespmem:s13+$0x80];
	v16 =	vadd.f32 v26, v16;
	v40 =	vmul.f32 v29, v22;
	v41 =	vadd.f32 $2.000071410e-01, v39  }
0x73: {  	v38 =	vld [tilespmem:s13+$0x90];
	v46 =	vmul.f32 v17, v17;
	v42 =	vsel vm4, $0xFFFFFF82, v2;
	v24 =	vsub.f32 v25, v24  }
0x74: {  	v47 =	vld [tilespmem:s12+$0x80];
	v16 =	vadd.f32 v16, v23;
	v25 =	vadd.f32 $-2.499999400e-01, v40;
	v23 =	vmul.f32 v41, v17  }
0x75: {  	v51 =	vld [tilespmem:s12+$0x90];
	v45 =	vsel vm3, $0xFFFFFF82, v2;
	v18 =	vadd.s32 v18, v42;
	v44 =	vmul.f32 v43, v22  }
0x76: {  	v19 =	vadd.s32 v19, v45;
	v25 =	vmul.f32 v25, v22;
	v23 =	vadd.f32 $-2.499999400e-01, v23  }
0x77: {  	v49 =	vmul.f32 v46, v17;
	v18 =	vcvt.s32.f32 v18;
	vm2 =	veq.s32 v31, $0x0  }
0x78: {  	vm11 =	veq.s32 v38, $0x0;
	v25 =	vadd.f32 $3.333333130e-01, v25;
	v23 =	vmul.f32 v23, v17  }
0x79: {  	v19 =	vcvt.s32.f32 v19;
	v48 =	vmul.f32 $2.121944420e-04, v18;
	vm13 =	veq.s32 v47, $0x0  }
0x7a: {  	vm14 =	veq.s32 v51, $0x0;
	v25 =	vmul.f32 v25, v44;
	v23 =	vadd.f32 $3.333333130e-01, v23  }
0x7b: {  	v50 =	vmul.f32 $5.000000000e-01, v43;
	vm10 =	vne.s32 v31, $0x0;
	vm12 =	vne.s32 v38, $0x0  }
0x7c: {  	v52 =	vmul.f32 $2.121944420e-04, v19;
	v25 =	vsub.f32 v25, v48;
	v23 =	vmul.f32 v23, v49  }
0x7d: {  	v21 =	vmul.f32 $6.933593750e-01, v21;
	v7 =	vadd.f32 v24, v7;
	vm5 =	vne.s32 v47, $0x0;
	[tilespmem:v8+s7+$0x0] =	vst.idx.msk vm2, v1  }
0x7e: {  	v55 =	vmul.f32 $5.000000000e-01, v46;
	[tilespmem:v5+s7+$0x0] =	vst.idx.msk vm11, v1;
	v53 =	vsub.f32 v25, v50;
	v54 =	vsub.f32 v23, v52  }
0x7f: {  	v57 =	vmul.f32 $6.933593750e-01, v18;
	vm15 =	vne.s32 v51, $0x0;
	v7 =	vadd.f32 v7, v21;
	[tilespmem:v4+s7+$0x0] =	vst.idx.msk vm13, v1  }
0x80: {  	v56 =	vnsel vm2, $0x0, v16;
	[tilespmem:v6+s7+$0x0] =	vst.idx.msk vm14, v1;
	v8 =	vadd.f32 v53, v22;
	v58 =	vsub.f32 v54, v55  }
0x81: {  	v61 =	vmul.f32 $6.933593750e-01, v19;
	v3 =	vadd.f32 v56, v3;
	[tilespmem:v12+s7+$0x0] =	vst.idx.msk vm10, v1  }
0x82: {  	v59 =	vnsel vm11, $0x0, v7;
	[tilespmem:v14+s7+$0x0] =	vst.idx.msk vm12, v1;
	v5 =	vadd.f32 v8, v57;
	v60 =	vadd.f32 v58, v17  }
0x83: {  	v3 =	vadd.f32 v59, v3;
	[tilespmem:v10+s7+$0x0] =	vst.idx.msk vm5, v1  }
0x84: {  	[tilespmem:v13+s7+$0x0] =	vst.idx.add.f32.msk vm12, v7;
	v62 =	vnsel vm13, $0x0, v5;
	v7 =	vadd.f32 v60, v61  }
0x85: {  	[tilespmem:v9+s7+$0x0] =	vst.idx.msk vm15, v1;
	v3 =	vadd.f32 v62, v3  }
0x86: {  	[tilespmem:v11+s7+$0x0] =	vst.idx.add.f32.msk vm10, v16;
	v63 =	vnsel vm14, $0x0, v7  }
0x87: {  	s11 =	sadd.s32 $0x1, s11;
	[tilespmem:v15+s7+$0x0] =	vst.idx.add.f32.msk vm5, v5;
	v3 =	vadd.f32 v63, v3  }
0x88: {  	p0 =	sne.s32 s11, s5;
	[tilespmem:v20+s7+$0x0] =	vst.idx.add.f32.msk vm15, v7  }
.Ltmp2:
0x89: {  	[tilespmem:$0x1C00] =	vst v3;
	(pc) =	sbr.rel @p0 .LBB2_1-.Ltmp2, $4  }
0x8a: {  	[hbm4b:s4+s8] =	stream.strided.scatter [tilespmem:s7], [sflag:$0x2], $0xC80, s9, s8, $0x38;
	[tilespmem:$0x1C80] =	vst v63  }
0x8b: {  	_ =	swait.ge [sflag:s10], $0xC80  }
0x8c: {  	[sflag:s10] =	ssyncset.done $0x0  }
0x8d: {  	[sflag:s10] =	ssyncadd.s32 $0xFFFFF380  }
0x8e: {  	_ =	sfence.sel $0x180000  }
0x8f: {  	[bflag:$0x0] =	sbarrier.arrive $0xFFFF  }
0x90: {  	p0 =	sne.s32 s0, $0x0;
	_ =	strace $0x90000047  }
0x91: {  	s0 =	sadd.s32 @!p0 $0x100000, s1;
	[bflag:$0x2] =	sbarrier.arrive $0xFFFF  }
0x92: {  	[sflag:s0] =	ssyncadd.tile.s32 @!p0 $0x1;
	_ =	shalt  }
.Lfunc_end2:
_tile_overlayer_lowered:
.L_overlay_start_2:
0x93: {  	(tag) =	ssettag $0x2  }
0x94: {  	s0 =	rddreg [dreg:$0x0];
	s2 =	stileid.u32  }
0x95: {  	s1 =	rddreg [dreg:$0x1];
	p0 =	sne.s32 s2, $0x0  }
0x96: {  	s3 =	rddreg [dreg:$0x2];
	[bflag:$0x3] =	sbarrier.arrive $0xFFFF;
	s2 =	simm.s32 @!p0 $0x1C02  }
0x97: {  	[timem:s3], [sflag:s2] =	dma.local @!p0 [hbm:s0], s1  }
0x98: {  	s0 =	simm.s32 @!p0 $0x2  }
0x99: {  	_ =	swait.ge @!p0 [sflag:s0], s1  }
0x9a: {  	s1 =	ssub.s32 @!p0 $0x0, s1;
	[sflag:s0] =	ssyncset.done @!p0 $0x0  }
0x9b: {  	[sflag:s0] =	ssyncadd.s32 @!p0 s1  }
0x9c: {  	[bflag:$0x3] =	sbarrier.arrive $0xFFFF  }
0x9d: {  	_ =	shalt  }

</sc_bundles>
